<compile_context>
chip_gen: v7x
topology: tpu7x:2x2x1
jax: 0.10.2.dev20260603
libtpu: 0.0.44.dev20260713+nightly
codegen_flags: <defaults>
</compile_context>

<pallas_src>
import functools

import jax
import jax.numpy as jnp
from jax import lax
from jax.experimental import pallas as pl
from jax.experimental.pallas import tpu as pltpu
from jax.experimental.pallas import tpu_sc as plsc

LENGTH = 64
IN_DIM = 64
OUT_DIM = 64
V = 2 * LENGTH - 1
D = IN_DIM * OUT_DIM
B = LENGTH * LENGTH

_INFO = plsc.get_sparse_core_info()
_NC = _INFO.num_cores
_NS = _INFO.num_subcores
_NW = _NC * _NS
_A = 8
_C = 16
_NIG = LENGTH // _A
_NJG = LENGTH // _C
_W = 24
_AUX = 32


@functools.partial(
    pl.kernel,
    mesh=plsc.VectorSubcoreMesh(core_axis_name="c", subcore_axis_name="s"),
    out_type=jax.ShapeDtypeStruct((B, 32, 128), jnp.float32),
    scratch_types=[
        pltpu.VMEM((_AUX,), jnp.int32),
        pltpu.VMEM((_W, 32, 128), jnp.float32),
        pltpu.SemaphoreType.DMA,
        pltpu.SemaphoreType.DMA,
        pltpu.SemaphoreType.DMA,
    ],
)
def _gather_sc(table_hbm, aux_hbm, out_hbm, aux_v, rbuf, gsem, gsem2, ssem):
    wid = lax.axis_index("s") * _NC + lax.axis_index("c")
    ig = wid // _NJG
    jg = lax.rem(wid, _NJG)
    i0 = ig * _A
    j0 = jg * _C

    pltpu.sync_copy(aux_hbm.at[pl.ds(wid * _AUX, _AUX)], aux_v)
    g1 = pltpu.make_async_copy(
        table_hbm.at[aux_v.at[pl.ds(0, 16)]], rbuf.at[pl.ds(0, 16)], gsem
    )
    g2 = pltpu.make_async_copy(
        table_hbm.at[aux_v.at[pl.ds(_W, 8)]], rbuf.at[pl.ds(16, 8)], gsem2
    )
    g1.start()
    g2.start()

    def store(a):
        d = pltpu.make_async_copy(
            rbuf.at[pl.ds(_A - 1 - a, _C)],
            out_hbm.at[pl.ds((i0 + a) * LENGTH + j0, _C)],
            ssem,
        )
        d.start()
        return d

    g1.wait()
    descs = [store(_A - 1)]
    g2.wait()
    for a in range(_A - 2, -1, -1):
        descs.append(store(a))
    for d in descs:
        d.wait()


def kernel(unique_params, index_map):
    table = unique_params.reshape(V, 32, 128)
    im = index_map.astype(jnp.int32)
    vmax = im.reshape(_NIG, _A, _NJG, _C).max(axis=(1, 3))
    gl = jnp.clip(vmax[:, :, None] - jnp.arange(_W, dtype=jnp.int32),
                  0, V - 1)
    aux = jnp.concatenate([gl, gl[:, :, 16:24]], axis=-1).reshape(_NW * _AUX)
    out = _gather_sc(table, aux)
    return out.reshape(LENGTH, LENGTH, IN_DIM, OUT_DIM)

# --- scband reference (transcript-rebuilt; emitter-appended) ---
"""Pipeline reference for scband-shared-parameter-4724464025975 (READ-ONLY COPY).

The authoritative reference and input builder live on the scoring server;
editing this copy changes nothing except your own understanding.
"""

import jax, jax.numpy as jnp
import numpy as np
import math

LENGTH = 64
IN_DIM = 64
OUT_DIM = 64

def _build_index_map(length):
    index_map = []
    for i in range(length):
        tmp = []
        for j in range(length):
            d = i - j + length - 1
            tmp.append(d)
        index_map.append(tmp)
    return jnp.asarray(np.array(index_map, dtype=np.int64))

def setup_inputs(seed: int = 0) -> dict:
    key = jax.random.key(seed)
    num_weights = 2 * LENGTH - 1
    # kaiming_uniform_(a=sqrt(5)) on tensor of shape [num_weights, in_dim, out_dim]:
    # fan_in = in_dim * out_dim (torch computes fan from dims [1:]), gain = sqrt(2/(1+5)) = 1/sqrt(3)
    fan_in = IN_DIM * OUT_DIM
    gain = math.sqrt(2.0 / (1.0 + 5.0))
    bound = gain * math.sqrt(3.0 / fan_in)
    unique_params = jax.random.uniform(key, (num_weights, IN_DIM, OUT_DIM), dtype=jnp.float32, minval=-bound, maxval=bound)
    index_map = _build_index_map(LENGTH)
    return {"unique_params": unique_params, "index_map": index_map}

def reference(unique_params, index_map):
    # weight = self.unique_params[self.index_map]
    weight = jnp.take(unique_params, index_map, axis=0)
    return weight

if __name__ == "__main__":
    import jax
    _d = setup_inputs()
    print(jax.jit(kernel)(*tuple(_d.values())))

</pallas_src>

<mosaic_0001>
#map = affine_map<(d0, d1) -> (0, 0, 0)>
#map1 = affine_map<(d0, d1) -> (0)>
module attributes {stable_mosaic.version = 14 : i64} {
  func.func @_gather_sc(%arg0: i32, %arg1: i32, %arg2: memref<127x32x128xf32, #tpu.memory_space<hbm>>, %arg3: memref<1024xi32, #tpu.memory_space<hbm>>, %arg4: memref<4096x32x128xf32, #tpu.memory_space<hbm>>, %arg5: memref<32xi32, #tpu.memory_space<vmem>>, %arg6: memref<24x32x128xf32, #tpu.memory_space<vmem>>, %arg7: memref<!tpu.dma_semaphore, #tpu.memory_space<semaphore_mem>>, %arg8: memref<!tpu.dma_semaphore, #tpu.memory_space<semaphore_mem>>, %arg9: memref<!tpu.dma_semaphore, #tpu.memory_space<semaphore_mem>>) attributes {dimension_semantics = [#tpu.dimension_semantics<core_parallel>, #tpu.dimension_semantics<subcore_parallel>], iteration_bounds = array<i64: 2, 16>, scalar_prefetch = 0 : i64, scratch_operands = 5 : i64, tpu.core_type = #tpu.core_type<sc_vector_subcore>, window_params = [{transform_indices = #map}, {transform_indices = #map1}, {transform_indices = #map}]} {
    %mul3A = arith.constant 2 : i32
    %mul3A_0 = arith.muli %arg1, %mul3A : i32
    %add3A = arith.addi %mul3A_0, %arg0 : i32
    %jit3A = arith.constant 4 : i32
    %div3A = arith.divsi %add3A, %jit3A : i32
    %sign3A = arith.constant 0 : i32
    %sign3A_1 = arith.cmpi sgt, %add3A, %sign3A : i32
    %sign3A_2 = arith.extui %sign3A_1 : i1 to i32
    %sign3A_3 = arith.constant 0 : i32
    %sign3A_4 = arith.cmpi slt, %add3A, %sign3A_3 : i32
    %sign3A_5 = arith.extui %sign3A_4 : i1 to i32
    %sign3A_6 = arith.subi %sign3A_2, %sign3A_5 : i32
    %sign3A_7 = arith.constant 0 : i32
    %sign3A_8 = arith.cmpi sgt, %jit3A, %sign3A_7 : i32
    %sign3A_9 = arith.extui %sign3A_8 : i1 to i32
    %sign3A_10 = arith.constant 0 : i32
    %sign3A_11 = arith.cmpi slt, %jit3A, %sign3A_10 : i32
    %sign3A_12 = arith.extui %sign3A_11 : i1 to i32
    %sign3A_13 = arith.subi %sign3A_9, %sign3A_12 : i32
    %ne3A = arith.cmpi ne, %sign3A_6, %sign3A_13 : i32
    %rem3A = arith.remsi %add3A, %jit3A : i32
    %ne3A_14 = arith.constant 0 : i32
    %ne3A_15 = arith.cmpi ne, %rem3A, %ne3A_14 : i32
    %and3A = arith.andi %ne3A, %ne3A_15 : i1
    %sub3A = arith.constant 1 : i32
    %sub3A_16 = arith.subi %div3A, %sub3A : i32
    %select_n3A = arith.select %and3A, %sub3A_16, %div3A : i32
    %rem3A_17 = arith.constant 4 : i32
    %rem3A_18 = arith.remsi %add3A, %rem3A_17 : i32
    %mul3A_19 = arith.constant 8 : i32
    %mul3A_20 = arith.muli %select_n3A, %mul3A_19 : i32
    %mul3A_21 = arith.constant 16 : i32
    %mul3A_22 = arith.muli %rem3A_18, %mul3A_21 : i32
    %mul3A_23 = arith.constant 32 : i32
    %mul3A_24 = arith.muli %add3A, %mul3A_23 : i32
    "tpu.region"() ({
      %run_scoped3A = tpu.sem_alloc : memref<!tpu.dma_semaphore, #tpu.memory_space<semaphore_mem>>
      %dma_start3A_327 = tpu.memref_slice %arg3[%mul3A_24] : memref<1024xi32, #tpu.memory_space<hbm>> -> memref<32xi32, #tpu.memory_space<hbm>>
      %dma_start3A_328 = tpu.memref_slice %arg3[%mul3A_24] : memref<1024xi32, #tpu.memory_space<hbm>> -> memref<32xi32, #tpu.memory_space<hbm>>
      tpu.enqueue_dma source(%dma_start3A_328 : memref<32xi32, #tpu.memory_space<hbm>>) target(%arg5 : memref<32xi32, #tpu.memory_space<vmem>>) target_semaphore(%run_scoped3A : memref<!tpu.dma_semaphore, #tpu.memory_space<semaphore_mem>>)
      %dma_wait3A_329 = tpu.memref_slice %arg3[%mul3A_24] : memref<1024xi32, #tpu.memory_space<hbm>> -> memref<32xi32, #tpu.memory_space<hbm>>
      %dma_wait3A_330 = tpu.memref_slice %arg3[%mul3A_24] : memref<1024xi32, #tpu.memory_space<hbm>> -> memref<32xi32, #tpu.memory_space<hbm>>
      tpu.wait_dma2 semaphore(%run_scoped3A : memref<!tpu.dma_semaphore, #tpu.memory_space<semaphore_mem>>) src(%dma_wait3A_330 : memref<32xi32, #tpu.memory_space<hbm>>) dst(%arg5 : memref<32xi32, #tpu.memory_space<vmem>>)
      tpu.yield
    }) : () -> ()
    %dma_start3A = arith.constant 0 : i32
    %dma_start3A_25 = arith.constant 0 : i32
    %dma_start3A_26 = arith.constant 0 : i32
    %dma_start3A_27 = tpu.memref_slice %arg6[%dma_start3A, %dma_start3A_25, %dma_start3A_26] : memref<24x32x128xf32, #tpu.memory_space<vmem>> -> memref<16x32x128xf32, #tpu.memory_space<vmem>>
    %dma_start3A_28 = arith.constant 0 : i32
    %dma_start3A_29 = tpu.memref_slice %arg5[%dma_start3A_28] : memref<32xi32, #tpu.memory_space<vmem>> -> memref<16xi32, #tpu.memory_space<vmem>>
    %dma_start3A_30 = arith.constant 0 : i32
    %dma_start3A_31 = arith.constant 0 : i32
    %dma_start3A_32 = arith.constant 0 : i32
    %dma_start3A_33 = tpu.memref_slice %arg2[%dma_start3A_30, %dma_start3A_31, %dma_start3A_32] : memref<127x32x128xf32, #tpu.memory_space<hbm>> -> memref<127x32x128xf32, #tpu.memory_space<hbm>>
    tpu.enqueue_indirect_dma source(%dma_start3A_33 : memref<127x32x128xf32, #tpu.memory_space<hbm>>) target(%dma_start3A_27 : memref<16x32x128xf32, #tpu.memory_space<vmem>>) offsets(%dma_start3A_29 : memref<16xi32, #tpu.memory_space<vmem>>) semaphore(%arg7 : memref<!tpu.dma_semaphore, #tpu.memory_space<semaphore_mem>>)
    %dma_start3A_34 = arith.constant 16 : i32
    %dma_start3A_35 = arith.constant 0 : i32
    %dma_start3A_36 = arith.constant 0 : i32
    %dma_start3A_37 = tpu.memref_slice %arg6[%dma_start3A_34, %dma_start3A_35, %dma_start3A_36] : memref<24x32x128xf32, #tpu.memory_space<vmem>> -> memref<8x32x128xf32, #tpu.memory_space<vmem>>
    %dma_start3A_38 = arith.constant 24 : i32
    %dma_start3A_39 = tpu.memref_slice %arg5[%dma_start3A_38] : memref<32xi32, #tpu.memory_space<vmem>> -> memref<8xi32, #tpu.memory_space<vmem>>
    %dma_start3A_40 = arith.constant 0 : i32
    %dma_start3A_41 = arith.constant 0 : i32
    %dma_start3A_42 = arith.constant 0 : i32
    %dma_start3A_43 = tpu.memref_slice %arg2[%dma_start3A_40, %dma_start3A_41, %dma_start3A_42] : memref<127x32x128xf32, #tpu.memory_space<hbm>> -> memref<127x32x128xf32, #tpu.memory_space<hbm>>
    tpu.enqueue_indirect_dma source(%dma_start3A_43 : memref<127x32x128xf32, #tpu.memory_space<hbm>>) target(%dma_start3A_37 : memref<8x32x128xf32, #tpu.memory_space<vmem>>) offsets(%dma_start3A_39 : memref<8xi32, #tpu.memory_space<vmem>>) semaphore(%arg8 : memref<!tpu.dma_semaphore, #tpu.memory_space<semaphore_mem>>)
    %dma_wait3A = arith.constant 0 : i32
    %dma_wait3A_44 = arith.constant 0 : i32
    %dma_wait3A_45 = arith.constant 0 : i32
    %dma_wait3A_46 = tpu.memref_slice %arg6[%dma_wait3A, %dma_wait3A_44, %dma_wait3A_45] : memref<24x32x128xf32, #tpu.memory_space<vmem>> -> memref<16x32x128xf32, #tpu.memory_space<vmem>>
    %dma_wait3A_47 = arith.constant 0 : i32
    %dma_wait3A_48 = tpu.memref_slice %arg5[%dma_wait3A_47] : memref<32xi32, #tpu.memory_space<vmem>> -> memref<16xi32, #tpu.memory_space<vmem>>
    %dma_wait3A_49 = arith.constant 0 : i32
    %dma_wait3A_50 = arith.constant 0 : i32
    %dma_wait3A_51 = arith.constant 0 : i32
    %dma_wait3A_52 = tpu.memref_slice %arg2[%dma_wait3A_49, %dma_wait3A_50, %dma_wait3A_51] : memref<127x32x128xf32, #tpu.memory_space<hbm>> -> memref<127x32x128xf32, #tpu.memory_space<hbm>>
    tpu.wait_indirect_dma semaphore(%arg7 : memref<!tpu.dma_semaphore, #tpu.memory_space<semaphore_mem>>) src(%dma_wait3A_52 : memref<127x32x128xf32, #tpu.memory_space<hbm>>) dst(%dma_wait3A_46 : memref<16x32x128xf32, #tpu.memory_space<vmem>>)
    %add3A_53 = arith.constant 7 : i32
    %add3A_54 = arith.addi %mul3A_20, %add3A_53 : i32
    %mul3A_55 = arith.constant 64 : i32
    %mul3A_56 = arith.muli %add3A_54, %mul3A_55 : i32
    %add3A_57 = arith.addi %mul3A_56, %mul3A_22 : i32
    %dma_start3A_58 = arith.constant 0 : i32
    %dma_start3A_59 = arith.constant 0 : i32
    %dma_start3A_60 = arith.constant 0 : i32
    %dma_start3A_61 = tpu.memref_slice %arg6[%dma_start3A_58, %dma_start3A_59, %dma_start3A_60] : memref<24x32x128xf32, #tpu.memory_space<vmem>> -> memref<16x32x128xf32, #tpu.memory_space<vmem>>
    %dma_start3A_62 = arith.constant 0 : i32
    %dma_start3A_63 = arith.constant 0 : i32
    %dma_start3A_64 = tpu.memref_slice %arg4[%add3A_57, %dma_start3A_62, %dma_start3A_63] : memref<4096x32x128xf32, #tpu.memory_space<hbm>> -> memref<16x32x128xf32, #tpu.memory_space<hbm>>
    %dma_start3A_65 = arith.constant 0 : i32
    %dma_start3A_66 = arith.constant 0 : i32
    %dma_start3A_67 = tpu.memref_slice %arg4[%add3A_57, %dma_start3A_65, %dma_start3A_66] : memref<4096x32x128xf32, #tpu.memory_space<hbm>> -> memref<16x32x128xf32, #tpu.memory_space<hbm>>
    %dma_start3A_68 = arith.constant 0 : i32
    %dma_start3A_69 = arith.constant 0 : i32
    %dma_start3A_70 = arith.constant 0 : i32
    %dma_start3A_71 = tpu.memref_slice %arg6[%dma_start3A_68, %dma_start3A_69, %dma_start3A_70] : memref<24x32x128xf32, #tpu.memory_space<vmem>> -> memref<16x32x128xf32, #tpu.memory_space<vmem>>
    tpu.enqueue_dma source(%dma_start3A_71 : memref<16x32x128xf32, #tpu.memory_space<vmem>>) target(%dma_start3A_67 : memref<16x32x128xf32, #tpu.memory_space<hbm>>) target_semaphore(%arg9 : memref<!tpu.dma_semaphore, #tpu.memory_space<semaphore_mem>>)
    %dma_wait3A_72 = arith.constant 16 : i32
    %dma_wait3A_73 = arith.constant 0 : i32
    %dma_wait3A_74 = arith.constant 0 : i32
    %dma_wait3A_75 = tpu.memref_slice %arg6[%dma_wait3A_72, %dma_wait3A_73, %dma_wait3A_74] : memref<24x32x128xf32, #tpu.memory_space<vmem>> -> memref<8x32x128xf32, #tpu.memory_space<vmem>>
    %dma_wait3A_76 = arith.constant 24 : i32
    %dma_wait3A_77 = tpu.memref_slice %arg5[%dma_wait3A_76] : memref<32xi32, #tpu.memory_space<vmem>> -> memref<8xi32, #tpu.memory_space<vmem>>
    %dma_wait3A_78 = arith.constant 0 : i32
    %dma_wait3A_79 = arith.constant 0 : i32
    %dma_wait3A_80 = arith.constant 0 : i32
    %dma_wait3A_81 = tpu.memref_slice %arg2[%dma_wait3A_78, %dma_wait3A_79, %dma_wait3A_80] : memref<127x32x128xf32, #tpu.memory_space<hbm>> -> memref<127x32x128xf32, #tpu.memory_space<hbm>>
    tpu.wait_indirect_dma semaphore(%arg8 : memref<!tpu.dma_semaphore, #tpu.memory_space<semaphore_mem>>) src(%dma_wait3A_81 : memref<127x32x128xf32, #tpu.memory_space<hbm>>) dst(%dma_wait3A_75 : memref<8x32x128xf32, #tpu.memory_space<vmem>>)
    %add3A_82 = arith.constant 6 : i32
    %add3A_83 = arith.addi %mul3A_20, %add3A_82 : i32
    %mul3A_84 = arith.constant 64 : i32
    %mul3A_85 = arith.muli %add3A_83, %mul3A_84 : i32
    %add3A_86 = arith.addi %mul3A_85, %mul3A_22 : i32
    %dma_start3A_87 = arith.constant 1 : i32
    %dma_start3A_88 = arith.constant 0 : i32
    %dma_start3A_89 = arith.constant 0 : i32
    %dma_start3A_90 = tpu.memref_slice %arg6[%dma_start3A_87, %dma_start3A_88, %dma_start3A_89] : memref<24x32x128xf32, #tpu.memory_space<vmem>> -> memref<16x32x128xf32, #tpu.memory_space<vmem>>
    %dma_start3A_91 = arith.constant 0 : i32
    %dma_start3A_92 = arith.constant 0 : i32
    %dma_start3A_93 = tpu.memref_slice %arg4[%add3A_86, %dma_start3A_91, %dma_start3A_92] : memref<4096x32x128xf32, #tpu.memory_space<hbm>> -> memref<16x32x128xf32, #tpu.memory_space<hbm>>
    %dma_start3A_94 = arith.constant 0 : i32
    %dma_start3A_95 = arith.constant 0 : i32
    %dma_start3A_96 = tpu.memref_slice %arg4[%add3A_86, %dma_start3A_94, %dma_start3A_95] : memref<4096x32x128xf32, #tpu.memory_space<hbm>> -> memref<16x32x128xf32, #tpu.memory_space<hbm>>
    %dma_start3A_97 = arith.constant 1 : i32
    %dma_start3A_98 = arith.constant 0 : i32
    %dma_start3A_99 = arith.constant 0 : i32
    %dma_start3A_100 = tpu.memref_slice %arg6[%dma_start3A_97, %dma_start3A_98, %dma_start3A_99] : memref<24x32x128xf32, #tpu.memory_space<vmem>> -> memref<16x32x128xf32, #tpu.memory_space<vmem>>
    tpu.enqueue_dma source(%dma_start3A_100 : memref<16x32x128xf32, #tpu.memory_space<vmem>>) target(%dma_start3A_96 : memref<16x32x128xf32, #tpu.memory_space<hbm>>) target_semaphore(%arg9 : memref<!tpu.dma_semaphore, #tpu.memory_space<semaphore_mem>>)
    %add3A_101 = arith.constant 5 : i32
    %add3A_102 = arith.addi %mul3A_20, %add3A_101 : i32
    %mul3A_103 = arith.constant 64 : i32
    %mul3A_104 = arith.muli %add3A_102, %mul3A_103 : i32
    %add3A_105 = arith.addi %mul3A_104, %mul3A_22 : i32
    %dma_start3A_106 = arith.constant 2 : i32
    %dma_start3A_107 = arith.constant 0 : i32
    %dma_start3A_108 = arith.constant 0 : i32
    %dma_start3A_109 = tpu.memref_slice %arg6[%dma_start3A_106, %dma_start3A_107, %dma_start3A_108] : memref<24x32x128xf32, #tpu.memory_space<vmem>> -> memref<16x32x128xf32, #tpu.memory_space<vmem>>
    %dma_start3A_110 = arith.constant 0 : i32
    %dma_start3A_111 = arith.constant 0 : i32
    %dma_start3A_112 = tpu.memref_slice %arg4[%add3A_105, %dma_start3A_110, %dma_start3A_111] : memref<4096x32x128xf32, #tpu.memory_space<hbm>> -> memref<16x32x128xf32, #tpu.memory_space<hbm>>
    %dma_start3A_113 = arith.constant 0 : i32
    %dma_start3A_114 = arith.constant 0 : i32
    %dma_start3A_115 = tpu.memref_slice %arg4[%add3A_105, %dma_start3A_113, %dma_start3A_114] : memref<4096x32x128xf32, #tpu.memory_space<hbm>> -> memref<16x32x128xf32, #tpu.memory_space<hbm>>
    %dma_start3A_116 = arith.constant 2 : i32
    %dma_start3A_117 = arith.constant 0 : i32
    %dma_start3A_118 = arith.constant 0 : i32
    %dma_start3A_119 = tpu.memref_slice %arg6[%dma_start3A_116, %dma_start3A_117, %dma_start3A_118] : memref<24x32x128xf32, #tpu.memory_space<vmem>> -> memref<16x32x128xf32, #tpu.memory_space<vmem>>
    tpu.enqueue_dma source(%dma_start3A_119 : memref<16x32x128xf32, #tpu.memory_space<vmem>>) target(%dma_start3A_115 : memref<16x32x128xf32, #tpu.memory_space<hbm>>) target_semaphore(%arg9 : memref<!tpu.dma_semaphore, #tpu.memory_space<semaphore_mem>>)
    %add3A_120 = arith.constant 4 : i32
    %add3A_121 = arith.addi %mul3A_20, %add3A_120 : i32
    %mul3A_122 = arith.constant 64 : i32
    %mul3A_123 = arith.muli %add3A_121, %mul3A_122 : i32
    %add3A_124 = arith.addi %mul3A_123, %mul3A_22 : i32
    %dma_start3A_125 = arith.constant 3 : i32
    %dma_start3A_126 = arith.constant 0 : i32
    %dma_start3A_127 = arith.constant 0 : i32
    %dma_start3A_128 = tpu.memref_slice %arg6[%dma_start3A_125, %dma_start3A_126, %dma_start3A_127] : memref<24x32x128xf32, #tpu.memory_space<vmem>> -> memref<16x32x128xf32, #tpu.memory_space<vmem>>
    %dma_start3A_129 = arith.constant 0 : i32
    %dma_start3A_130 = arith.constant 0 : i32
    %dma_start3A_131 = tpu.memref_slice %arg4[%add3A_124, %dma_start3A_129, %dma_start3A_130] : memref<4096x32x128xf32, #tpu.memory_space<hbm>> -> memref<16x32x128xf32, #tpu.memory_space<hbm>>
    %dma_start3A_132 = arith.constant 0 : i32
    %dma_start3A_133 = arith.constant 0 : i32
    %dma_start3A_134 = tpu.memref_slice %arg4[%add3A_124, %dma_start3A_132, %dma_start3A_133] : memref<4096x32x128xf32, #tpu.memory_space<hbm>> -> memref<16x32x128xf32, #tpu.memory_space<hbm>>
    %dma_start3A_135 = arith.constant 3 : i32
    %dma_start3A_136 = arith.constant 0 : i32
    %dma_start3A_137 = arith.constant 0 : i32
    %dma_start3A_138 = tpu.memref_slice %arg6[%dma_start3A_135, %dma_start3A_136, %dma_start3A_137] : memref<24x32x128xf32, #tpu.memory_space<vmem>> -> memref<16x32x128xf32, #tpu.memory_space<vmem>>
    tpu.enqueue_dma source(%dma_start3A_138 : memref<16x32x128xf32, #tpu.memory_space<vmem>>) target(%dma_start3A_134 : memref<16x32x128xf32, #tpu.memory_space<hbm>>) target_semaphore(%arg9 : memref<!tpu.dma_semaphore, #tpu.memory_space<semaphore_mem>>)
    %add3A_139 = arith.constant 3 : i32
    %add3A_140 = arith.addi %mul3A_20, %add3A_139 : i32
    %mul3A_141 = arith.constant 64 : i32
    %mul3A_142 = arith.muli %add3A_140, %mul3A_141 : i32
    %add3A_143 = arith.addi %mul3A_142, %mul3A_22 : i32
    %dma_start3A_144 = arith.constant 4 : i32
    %dma_start3A_145 = arith.constant 0 : i32
    %dma_start3A_146 = arith.constant 0 : i32
    %dma_start3A_147 = tpu.memref_slice %arg6[%dma_start3A_144, %dma_start3A_145, %dma_start3A_146] : memref<24x32x128xf32, #tpu.memory_space<vmem>> -> memref<16x32x128xf32, #tpu.memory_space<vmem>>
    %dma_start3A_148 = arith.constant 0 : i32
    %dma_start3A_149 = arith.constant 0 : i32
    %dma_start3A_150 = tpu.memref_slice %arg4[%add3A_143, %dma_start3A_148, %dma_start3A_149] : memref<4096x32x128xf32, #tpu.memory_space<hbm>> -> memref<16x32x128xf32, #tpu.memory_space<hbm>>
    %dma_start3A_151 = arith.constant 0 : i32
    %dma_start3A_152 = arith.constant 0 : i32
    %dma_start3A_153 = tpu.memref_slice %arg4[%add3A_143, %dma_start3A_151, %dma_start3A_152] : memref<4096x32x128xf32, #tpu.memory_space<hbm>> -> memref<16x32x128xf32, #tpu.memory_space<hbm>>
    %dma_start3A_154 = arith.constant 4 : i32
    %dma_start3A_155 = arith.constant 0 : i32
    %dma_start3A_156 = arith.constant 0 : i32
    %dma_start3A_157 = tpu.memref_slice %arg6[%dma_start3A_154, %dma_start3A_155, %dma_start3A_156] : memref<24x32x128xf32, #tpu.memory_space<vmem>> -> memref<16x32x128xf32, #tpu.memory_space<vmem>>
    tpu.enqueue_dma source(%dma_start3A_157 : memref<16x32x128xf32, #tpu.memory_space<vmem>>) target(%dma_start3A_153 : memref<16x32x128xf32, #tpu.memory_space<hbm>>) target_semaphore(%arg9 : memref<!tpu.dma_semaphore, #tpu.memory_space<semaphore_mem>>)
    %add3A_158 = arith.constant 2 : i32
    %add3A_159 = arith.addi %mul3A_20, %add3A_158 : i32
    %mul3A_160 = arith.constant 64 : i32
    %mul3A_161 = arith.muli %add3A_159, %mul3A_160 : i32
    %add3A_162 = arith.addi %mul3A_161, %mul3A_22 : i32
    %dma_start3A_163 = arith.constant 5 : i32
    %dma_start3A_164 = arith.constant 0 : i32
    %dma_start3A_165 = arith.constant 0 : i32
    %dma_start3A_166 = tpu.memref_slice %arg6[%dma_start3A_163, %dma_start3A_164, %dma_start3A_165] : memref<24x32x128xf32, #tpu.memory_space<vmem>> -> memref<16x32x128xf32, #tpu.memory_space<vmem>>
    %dma_start3A_167 = arith.constant 0 : i32
    %dma_start3A_168 = arith.constant 0 : i32
    %dma_start3A_169 = tpu.memref_slice %arg4[%add3A_162, %dma_start3A_167, %dma_start3A_168] : memref<4096x32x128xf32, #tpu.memory_space<hbm>> -> memref<16x32x128xf32, #tpu.memory_space<hbm>>
    %dma_start3A_170 = arith.constant 0 : i32
    %dma_start3A_171 = arith.constant 0 : i32
    %dma_start3A_172 = tpu.memref_slice %arg4[%add3A_162, %dma_start3A_170, %dma_start3A_171] : memref<4096x32x128xf32, #tpu.memory_space<hbm>> -> memref<16x32x128xf32, #tpu.memory_space<hbm>>
    %dma_start3A_173 = arith.constant 5 : i32
    %dma_start3A_174 = arith.constant 0 : i32
    %dma_start3A_175 = arith.constant 0 : i32
    %dma_start3A_176 = tpu.memref_slice %arg6[%dma_start3A_173, %dma_start3A_174, %dma_start3A_175] : memref<24x32x128xf32, #tpu.memory_space<vmem>> -> memref<16x32x128xf32, #tpu.memory_space<vmem>>
    tpu.enqueue_dma source(%dma_start3A_176 : memref<16x32x128xf32, #tpu.memory_space<vmem>>) target(%dma_start3A_172 : memref<16x32x128xf32, #tpu.memory_space<hbm>>) target_semaphore(%arg9 : memref<!tpu.dma_semaphore, #tpu.memory_space<semaphore_mem>>)
    %add3A_177 = arith.constant 1 : i32
    %add3A_178 = arith.addi %mul3A_20, %add3A_177 : i32
    %mul3A_179 = arith.constant 64 : i32
    %mul3A_180 = arith.muli %add3A_178, %mul3A_179 : i32
    %add3A_181 = arith.addi %mul3A_180, %mul3A_22 : i32
    %dma_start3A_182 = arith.constant 6 : i32
    %dma_start3A_183 = arith.constant 0 : i32
    %dma_start3A_184 = arith.constant 0 : i32
    %dma_start3A_185 = tpu.memref_slice %arg6[%dma_start3A_182, %dma_start3A_183, %dma_start3A_184] : memref<24x32x128xf32, #tpu.memory_space<vmem>> -> memref<16x32x128xf32, #tpu.memory_space<vmem>>
    %dma_start3A_186 = arith.constant 0 : i32
    %dma_start3A_187 = arith.constant 0 : i32
    %dma_start3A_188 = tpu.memref_slice %arg4[%add3A_181, %dma_start3A_186, %dma_start3A_187] : memref<4096x32x128xf32, #tpu.memory_space<hbm>> -> memref<16x32x128xf32, #tpu.memory_space<hbm>>
    %dma_start3A_189 = arith.constant 0 : i32
    %dma_start3A_190 = arith.constant 0 : i32
    %dma_start3A_191 = tpu.memref_slice %arg4[%add3A_181, %dma_start3A_189, %dma_start3A_190] : memref<4096x32x128xf32, #tpu.memory_space<hbm>> -> memref<16x32x128xf32, #tpu.memory_space<hbm>>
    %dma_start3A_192 = arith.constant 6 : i32
    %dma_start3A_193 = arith.constant 0 : i32
    %dma_start3A_194 = arith.constant 0 : i32
    %dma_start3A_195 = tpu.memref_slice %arg6[%dma_start3A_192, %dma_start3A_193, %dma_start3A_194] : memref<24x32x128xf32, #tpu.memory_space<vmem>> -> memref<16x32x128xf32, #tpu.memory_space<vmem>>
    tpu.enqueue_dma source(%dma_start3A_195 : memref<16x32x128xf32, #tpu.memory_space<vmem>>) target(%dma_start3A_191 : memref<16x32x128xf32, #tpu.memory_space<hbm>>) target_semaphore(%arg9 : memref<!tpu.dma_semaphore, #tpu.memory_space<semaphore_mem>>)
    %add3A_196 = arith.constant 0 : i32
    %add3A_197 = arith.addi %mul3A_20, %add3A_196 : i32
    %mul3A_198 = arith.constant 64 : i32
    %mul3A_199 = arith.muli %add3A_197, %mul3A_198 : i32
    %add3A_200 = arith.addi %mul3A_199, %mul3A_22 : i32
    %dma_start3A_201 = arith.constant 7 : i32
    %dma_start3A_202 = arith.constant 0 : i32
    %dma_start3A_203 = arith.constant 0 : i32
    %dma_start3A_204 = tpu.memref_slice %arg6[%dma_start3A_201, %dma_start3A_202, %dma_start3A_203] : memref<24x32x128xf32, #tpu.memory_space<vmem>> -> memref<16x32x128xf32, #tpu.memory_space<vmem>>
    %dma_start3A_205 = arith.constant 0 : i32
    %dma_start3A_206 = arith.constant 0 : i32
    %dma_start3A_207 = tpu.memref_slice %arg4[%add3A_200, %dma_start3A_205, %dma_start3A_206] : memref<4096x32x128xf32, #tpu.memory_space<hbm>> -> memref<16x32x128xf32, #tpu.memory_space<hbm>>
    %dma_start3A_208 = arith.constant 0 : i32
    %dma_start3A_209 = arith.constant 0 : i32
    %dma_start3A_210 = tpu.memref_slice %arg4[%add3A_200, %dma_start3A_208, %dma_start3A_209] : memref<4096x32x128xf32, #tpu.memory_space<hbm>> -> memref<16x32x128xf32, #tpu.memory_space<hbm>>
    %dma_start3A_211 = arith.constant 7 : i32
    %dma_start3A_212 = arith.constant 0 : i32
    %dma_start3A_213 = arith.constant 0 : i32
    %dma_start3A_214 = tpu.memref_slice %arg6[%dma_start3A_211, %dma_start3A_212, %dma_start3A_213] : memref<24x32x128xf32, #tpu.memory_space<vmem>> -> memref<16x32x128xf32, #tpu.memory_space<vmem>>
    tpu.enqueue_dma source(%dma_start3A_214 : memref<16x32x128xf32, #tpu.memory_space<vmem>>) target(%dma_start3A_210 : memref<16x32x128xf32, #tpu.memory_space<hbm>>) target_semaphore(%arg9 : memref<!tpu.dma_semaphore, #tpu.memory_space<semaphore_mem>>)
    %dma_wait3A_215 = arith.constant 0 : i32
    %dma_wait3A_216 = arith.constant 0 : i32
    %dma_wait3A_217 = arith.constant 0 : i32
    %dma_wait3A_218 = tpu.memref_slice %arg6[%dma_wait3A_215, %dma_wait3A_216, %dma_wait3A_217] : memref<24x32x128xf32, #tpu.memory_space<vmem>> -> memref<16x32x128xf32, #tpu.memory_space<vmem>>
    %dma_wait3A_219 = arith.constant 0 : i32
    %dma_wait3A_220 = arith.constant 0 : i32
    %dma_wait3A_221 = tpu.memref_slice %arg4[%add3A_57, %dma_wait3A_219, %dma_wait3A_220] : memref<4096x32x128xf32, #tpu.memory_space<hbm>> -> memref<16x32x128xf32, #tpu.memory_space<hbm>>
    %dma_wait3A_222 = arith.constant 0 : i32
    %dma_wait3A_223 = arith.constant 0 : i32
    %dma_wait3A_224 = tpu.memref_slice %arg4[%add3A_57, %dma_wait3A_222, %dma_wait3A_223] : memref<4096x32x128xf32, #tpu.memory_space<hbm>> -> memref<16x32x128xf32, #tpu.memory_space<hbm>>
    %dma_wait3A_225 = arith.constant 0 : i32
    %dma_wait3A_226 = arith.constant 0 : i32
    %dma_wait3A_227 = arith.constant 0 : i32
    %dma_wait3A_228 = tpu.memref_slice %arg6[%dma_wait3A_225, %dma_wait3A_226, %dma_wait3A_227] : memref<24x32x128xf32, #tpu.memory_space<vmem>> -> memref<16x32x128xf32, #tpu.memory_space<vmem>>
    tpu.wait_dma2 semaphore(%arg9 : memref<!tpu.dma_semaphore, #tpu.memory_space<semaphore_mem>>) src(%dma_wait3A_228 : memref<16x32x128xf32, #tpu.memory_space<vmem>>) dst(%dma_wait3A_224 : memref<16x32x128xf32, #tpu.memory_space<hbm>>)
    %dma_wait3A_229 = arith.constant 1 : i32
    %dma_wait3A_230 = arith.constant 0 : i32
    %dma_wait3A_231 = arith.constant 0 : i32
    %dma_wait3A_232 = tpu.memref_slice %arg6[%dma_wait3A_229, %dma_wait3A_230, %dma_wait3A_231] : memref<24x32x128xf32, #tpu.memory_space<vmem>> -> memref<16x32x128xf32, #tpu.memory_space<vmem>>
    %dma_wait3A_233 = arith.constant 0 : i32
    %dma_wait3A_234 = arith.constant 0 : i32
    %dma_wait3A_235 = tpu.memref_slice %arg4[%add3A_86, %dma_wait3A_233, %dma_wait3A_234] : memref<4096x32x128xf32, #tpu.memory_space<hbm>> -> memref<16x32x128xf32, #tpu.memory_space<hbm>>
    %dma_wait3A_236 = arith.constant 0 : i32
    %dma_wait3A_237 = arith.constant 0 : i32
    %dma_wait3A_238 = tpu.memref_slice %arg4[%add3A_86, %dma_wait3A_236, %dma_wait3A_237] : memref<4096x32x128xf32, #tpu.memory_space<hbm>> -> memref<16x32x128xf32, #tpu.memory_space<hbm>>
    %dma_wait3A_239 = arith.constant 1 : i32
    %dma_wait3A_240 = arith.constant 0 : i32
    %dma_wait3A_241 = arith.constant 0 : i32
    %dma_wait3A_242 = tpu.memref_slice %arg6[%dma_wait3A_239, %dma_wait3A_240, %dma_wait3A_241] : memref<24x32x128xf32, #tpu.memory_space<vmem>> -> memref<16x32x128xf32, #tpu.memory_space<vmem>>
    tpu.wait_dma2 semaphore(%arg9 : memref<!tpu.dma_semaphore, #tpu.memory_space<semaphore_mem>>) src(%dma_wait3A_242 : memref<16x32x128xf32, #tpu.memory_space<vmem>>) dst(%dma_wait3A_238 : memref<16x32x128xf32, #tpu.memory_space<hbm>>)
    %dma_wait3A_243 = arith.constant 2 : i32
    %dma_wait3A_244 = arith.constant 0 : i32
    %dma_wait3A_245 = arith.constant 0 : i32
    %dma_wait3A_246 = tpu.memref_slice %arg6[%dma_wait3A_243, %dma_wait3A_244, %dma_wait3A_245] : memref<24x32x128xf32, #tpu.memory_space<vmem>> -> memref<16x32x128xf32, #tpu.memory_space<vmem>>
    %dma_wait3A_247 = arith.constant 0 : i32
    %dma_wait3A_248 = arith.constant 0 : i32
    %dma_wait3A_249 = tpu.memref_slice %arg4[%add3A_105, %dma_wait3A_247, %dma_wait3A_248] : memref<4096x32x128xf32, #tpu.memory_space<hbm>> -> memref<16x32x128xf32, #tpu.memory_space<hbm>>
    %dma_wait3A_250 = arith.constant 0 : i32
    %dma_wait3A_251 = arith.constant 0 : i32
    %dma_wait3A_252 = tpu.memref_slice %arg4[%add3A_105, %dma_wait3A_250, %dma_wait3A_251] : memref<4096x32x128xf32, #tpu.memory_space<hbm>> -> memref<16x32x128xf32, #tpu.memory_space<hbm>>
    %dma_wait3A_253 = arith.constant 2 : i32
    %dma_wait3A_254 = arith.constant 0 : i32
    %dma_wait3A_255 = arith.constant 0 : i32
    %dma_wait3A_256 = tpu.memref_slice %arg6[%dma_wait3A_253, %dma_wait3A_254, %dma_wait3A_255] : memref<24x32x128xf32, #tpu.memory_space<vmem>> -> memref<16x32x128xf32, #tpu.memory_space<vmem>>
    tpu.wait_dma2 semaphore(%arg9 : memref<!tpu.dma_semaphore, #tpu.memory_space<semaphore_mem>>) src(%dma_wait3A_256 : memref<16x32x128xf32, #tpu.memory_space<vmem>>) dst(%dma_wait3A_252 : memref<16x32x128xf32, #tpu.memory_space<hbm>>)
    %dma_wait3A_257 = arith.constant 3 : i32
    %dma_wait3A_258 = arith.constant 0 : i32
    %dma_wait3A_259 = arith.constant 0 : i32
    %dma_wait3A_260 = tpu.memref_slice %arg6[%dma_wait3A_257, %dma_wait3A_258, %dma_wait3A_259] : memref<24x32x128xf32, #tpu.memory_space<vmem>> -> memref<16x32x128xf32, #tpu.memory_space<vmem>>
    %dma_wait3A_261 = arith.constant 0 : i32
    %dma_wait3A_262 = arith.constant 0 : i32
    %dma_wait3A_263 = tpu.memref_slice %arg4[%add3A_124, %dma_wait3A_261, %dma_wait3A_262] : memref<4096x32x128xf32, #tpu.memory_space<hbm>> -> memref<16x32x128xf32, #tpu.memory_space<hbm>>
    %dma_wait3A_264 = arith.constant 0 : i32
    %dma_wait3A_265 = arith.constant 0 : i32
    %dma_wait3A_266 = tpu.memref_slice %arg4[%add3A_124, %dma_wait3A_264, %dma_wait3A_265] : memref<4096x32x128xf32, #tpu.memory_space<hbm>> -> memref<16x32x128xf32, #tpu.memory_space<hbm>>
    %dma_wait3A_267 = arith.constant 3 : i32
    %dma_wait3A_268 = arith.constant 0 : i32
    %dma_wait3A_269 = arith.constant 0 : i32
    %dma_wait3A_270 = tpu.memref_slice %arg6[%dma_wait3A_267, %dma_wait3A_268, %dma_wait3A_269] : memref<24x32x128xf32, #tpu.memory_space<vmem>> -> memref<16x32x128xf32, #tpu.memory_space<vmem>>
    tpu.wait_dma2 semaphore(%arg9 : memref<!tpu.dma_semaphore, #tpu.memory_space<semaphore_mem>>) src(%dma_wait3A_270 : memref<16x32x128xf32, #tpu.memory_space<vmem>>) dst(%dma_wait3A_266 : memref<16x32x128xf32, #tpu.memory_space<hbm>>)
    %dma_wait3A_271 = arith.constant 4 : i32
    %dma_wait3A_272 = arith.constant 0 : i32
    %dma_wait3A_273 = arith.constant 0 : i32
    %dma_wait3A_274 = tpu.memref_slice %arg6[%dma_wait3A_271, %dma_wait3A_272, %dma_wait3A_273] : memref<24x32x128xf32, #tpu.memory_space<vmem>> -> memref<16x32x128xf32, #tpu.memory_space<vmem>>
    %dma_wait3A_275 = arith.constant 0 : i32
    %dma_wait3A_276 = arith.constant 0 : i32
    %dma_wait3A_277 = tpu.memref_slice %arg4[%add3A_143, %dma_wait3A_275, %dma_wait3A_276] : memref<4096x32x128xf32, #tpu.memory_space<hbm>> -> memref<16x32x128xf32, #tpu.memory_space<hbm>>
    %dma_wait3A_278 = arith.constant 0 : i32
    %dma_wait3A_279 = arith.constant 0 : i32
    %dma_wait3A_280 = tpu.memref_slice %arg4[%add3A_143, %dma_wait3A_278, %dma_wait3A_279] : memref<4096x32x128xf32, #tpu.memory_space<hbm>> -> memref<16x32x128xf32, #tpu.memory_space<hbm>>
    %dma_wait3A_281 = arith.constant 4 : i32
    %dma_wait3A_282 = arith.constant 0 : i32
    %dma_wait3A_283 = arith.constant 0 : i32
    %dma_wait3A_284 = tpu.memref_slice %arg6[%dma_wait3A_281, %dma_wait3A_282, %dma_wait3A_283] : memref<24x32x128xf32, #tpu.memory_space<vmem>> -> memref<16x32x128xf32, #tpu.memory_space<vmem>>
    tpu.wait_dma2 semaphore(%arg9 : memref<!tpu.dma_semaphore, #tpu.memory_space<semaphore_mem>>) src(%dma_wait3A_284 : memref<16x32x128xf32, #tpu.memory_space<vmem>>) dst(%dma_wait3A_280 : memref<16x32x128xf32, #tpu.memory_space<hbm>>)
    %dma_wait3A_285 = arith.constant 5 : i32
    %dma_wait3A_286 = arith.constant 0 : i32
    %dma_wait3A_287 = arith.constant 0 : i32
    %dma_wait3A_288 = tpu.memref_slice %arg6[%dma_wait3A_285, %dma_wait3A_286, %dma_wait3A_287] : memref<24x32x128xf32, #tpu.memory_space<vmem>> -> memref<16x32x128xf32, #tpu.memory_space<vmem>>
    %dma_wait3A_289 = arith.constant 0 : i32
    %dma_wait3A_290 = arith.constant 0 : i32
    %dma_wait3A_291 = tpu.memref_slice %arg4[%add3A_162, %dma_wait3A_289, %dma_wait3A_290] : memref<4096x32x128xf32, #tpu.memory_space<hbm>> -> memref<16x32x128xf32, #tpu.memory_space<hbm>>
    %dma_wait3A_292 = arith.constant 0 : i32
    %dma_wait3A_293 = arith.constant 0 : i32
    %dma_wait3A_294 = tpu.memref_slice %arg4[%add3A_162, %dma_wait3A_292, %dma_wait3A_293] : memref<4096x32x128xf32, #tpu.memory_space<hbm>> -> memref<16x32x128xf32, #tpu.memory_space<hbm>>
    %dma_wait3A_295 = arith.constant 5 : i32
    %dma_wait3A_296 = arith.constant 0 : i32
    %dma_wait3A_297 = arith.constant 0 : i32
    %dma_wait3A_298 = tpu.memref_slice %arg6[%dma_wait3A_295, %dma_wait3A_296, %dma_wait3A_297] : memref<24x32x128xf32, #tpu.memory_space<vmem>> -> memref<16x32x128xf32, #tpu.memory_space<vmem>>
    tpu.wait_dma2 semaphore(%arg9 : memref<!tpu.dma_semaphore, #tpu.memory_space<semaphore_mem>>) src(%dma_wait3A_298 : memref<16x32x128xf32, #tpu.memory_space<vmem>>) dst(%dma_wait3A_294 : memref<16x32x128xf32, #tpu.memory_space<hbm>>)
    %dma_wait3A_299 = arith.constant 6 : i32
    %dma_wait3A_300 = arith.constant 0 : i32
    %dma_wait3A_301 = arith.constant 0 : i32
    %dma_wait3A_302 = tpu.memref_slice %arg6[%dma_wait3A_299, %dma_wait3A_300, %dma_wait3A_301] : memref<24x32x128xf32, #tpu.memory_space<vmem>> -> memref<16x32x128xf32, #tpu.memory_space<vmem>>
    %dma_wait3A_303 = arith.constant 0 : i32
    %dma_wait3A_304 = arith.constant 0 : i32
    %dma_wait3A_305 = tpu.memref_slice %arg4[%add3A_181, %dma_wait3A_303, %dma_wait3A_304] : memref<4096x32x128xf32, #tpu.memory_space<hbm>> -> memref<16x32x128xf32, #tpu.memory_space<hbm>>
    %dma_wait3A_306 = arith.constant 0 : i32
    %dma_wait3A_307 = arith.constant 0 : i32
    %dma_wait3A_308 = tpu.memref_slice %arg4[%add3A_181, %dma_wait3A_306, %dma_wait3A_307] : memref<4096x32x128xf32, #tpu.memory_space<hbm>> -> memref<16x32x128xf32, #tpu.memory_space<hbm>>
    %dma_wait3A_309 = arith.constant 6 : i32
    %dma_wait3A_310 = arith.constant 0 : i32
    %dma_wait3A_311 = arith.constant 0 : i32
    %dma_wait3A_312 = tpu.memref_slice %arg6[%dma_wait3A_309, %dma_wait3A_310, %dma_wait3A_311] : memref<24x32x128xf32, #tpu.memory_space<vmem>> -> memref<16x32x128xf32, #tpu.memory_space<vmem>>
    tpu.wait_dma2 semaphore(%arg9 : memref<!tpu.dma_semaphore, #tpu.memory_space<semaphore_mem>>) src(%dma_wait3A_312 : memref<16x32x128xf32, #tpu.memory_space<vmem>>) dst(%dma_wait3A_308 : memref<16x32x128xf32, #tpu.memory_space<hbm>>)
    %dma_wait3A_313 = arith.constant 7 : i32
    %dma_wait3A_314 = arith.constant 0 : i32
    %dma_wait3A_315 = arith.constant 0 : i32
    %dma_wait3A_316 = tpu.memref_slice %arg6[%dma_wait3A_313, %dma_wait3A_314, %dma_wait3A_315] : memref<24x32x128xf32, #tpu.memory_space<vmem>> -> memref<16x32x128xf32, #tpu.memory_space<vmem>>
    %dma_wait3A_317 = arith.constant 0 : i32
    %dma_wait3A_318 = arith.constant 0 : i32
    %dma_wait3A_319 = tpu.memref_slice %arg4[%add3A_200, %dma_wait3A_317, %dma_wait3A_318] : memref<4096x32x128xf32, #tpu.memory_space<hbm>> -> memref<16x32x128xf32, #tpu.memory_space<hbm>>
    %dma_wait3A_320 = arith.constant 0 : i32
    %dma_wait3A_321 = arith.constant 0 : i32
    %dma_wait3A_322 = tpu.memref_slice %arg4[%add3A_200, %dma_wait3A_320, %dma_wait3A_321] : memref<4096x32x128xf32, #tpu.memory_space<hbm>> -> memref<16x32x128xf32, #tpu.memory_space<hbm>>
    %dma_wait3A_323 = arith.constant 7 : i32
    %dma_wait3A_324 = arith.constant 0 : i32
    %dma_wait3A_325 = arith.constant 0 : i32
    %dma_wait3A_326 = tpu.memref_slice %arg6[%dma_wait3A_323, %dma_wait3A_324, %dma_wait3A_325] : memref<24x32x128xf32, #tpu.memory_space<vmem>> -> memref<16x32x128xf32, #tpu.memory_space<vmem>>
    tpu.wait_dma2 semaphore(%arg9 : memref<!tpu.dma_semaphore, #tpu.memory_space<semaphore_mem>>) src(%dma_wait3A_326 : memref<16x32x128xf32, #tpu.memory_space<vmem>>) dst(%dma_wait3A_322 : memref<16x32x128xf32, #tpu.memory_space<hbm>>)
    return
  }
}

</mosaic_0001>

<sc_bundles>
// kernel: kernel.3.cloned.1.call-start
scs
__scs_entry_jumppad:
0x0: {  	(pc) =	sbr.rel $0x88, $3  }
0x1: {  	(tag) =	ssettag $0x0;
	lr =	simm.s32 $0x1  }
0x2: {  	[smem:$0x3F9F] =	sst lr;
	_ =	strace $0xD0000000  }
0x3: {  	_ = 	snop  }
0x4: {  	_ = 	snop  }
0x5: {  	_ = 	snop  }
0x6: {  	_ = 	snop  }
0x7: {  	_ = 	snop  }
__scs_overlays_trampoline_lowered:
0x8: {  	[smem:$0x3FAE] =	sst s0  }
0x9: {  	[smem:$0x3FAF] =	sst s1  }
0xa: {  	[smem:$0x3FB0] =	sst s2  }
0xb: {  	[smem:$0x3FB1] =	sst s3  }
0xc: {  	[smem:$0x3FB2] =	sst s4  }
0xd: {  	[smem:$0x3FB3] =	sst s5  }
0xe: {  	[smem:$0x3FB4] =	sst s6  }
0xf: {  	[smem:$0x3FB5] =	sst s7  }
0x10: {  	[smem:$0x3FB6] =	sst s8  }
0x11: {  	[smem:$0x3FB7] =	sst s9;
	s0 =	simm.s32 @!p0 $0x0  }
0x12: {  	s1 =	sld [smem:$0x3F9D];
	s0 =	simm.s32 @p0 $0x1  }
0x13: {  	[smem:$0x3FB8] =	sst s0;
	s0 =	simm.s32 @!p1 $0x0  }
0x14: {  	s2 =	sld [smem:$0x3F9C];
	s0 =	simm.s32 @p1 $0x1  }
0x15: {  	[smem:$0x3FB9] =	sst s0;
	s0 =	simm.s32 @!p2 $0x0  }
0x16: {  	s3 =	sld [smem:$0x3FDB];
	s0 =	simm.s32 @p2 $0x1  }
0x17: {  	s4 =	simm.s32 $0x1BF5;
	[smem:$0x3FBB] =	sst s0  }
0x18: {  	s0 =	sld [smem:$0x3F9E];
	_ =	swait.ge [sflag:s4], $0x0  }
0x19: {  	s7 =	sld [smem:$0x3F9F]  }
0x1a: {  	s8 =	sadd.s32 $0xFFFFE003, lr  }
0x1b: {  	s9 =	sadd.s32 $0xFFFFFEF7, lr;
	s5 =	simm.s32 $0xFFFFFFFF;
	p2 =	slt.u32 s8, $0xFFFFF086  }
0x1c: {  	p1 =	slt.u32 s9, $0xF7A;
	s5 =	simm.s32 @!p2 $0x0  }
0x1d: {  	s5 =	simm.s32 @p1 $0x1;
	p0 =	seq.s32 s7, s2  }
0x1e: {  	s7 =	smul.u32 @!p0 $0xF7A, s2;
	p2 =	seq.s32 @!p0 s5, $0x0  }
0x1f: {  	s9 =	smul.u32 $0xF7A, s1;
	s8 =	simm.s32 @!p0 $0x1BF5;
	p2 =	por !p2, p0  }
0x20: {  	[sflag:s8] =	ssyncset.s32 @!p0 $0xFFFFF086;
	s6 =	sadd.s32 @!p0 s3, s7;
	s7 =	simm.s32 @!p0 $0x108  }
0x21: {  	s3 =	sadd.s32 s3, s9;
	s6 =	sadd.s32 @!p0 $0x88, s6;
	s7 =	simm.s32 @p2 $0x1082  }
0x22: {  	[simem:s7], [sflag:s8] =	dma.local @!p0 [hbm:s6], $0xF7A  }
0x23: {  	s9 =	sor.u32 $0xD0000000, s2;
	s6 =	simm.s32 $0x108;
	_ =	swait.ge @!p0 [sflag:s8], $0x0  }
0x24: {  	s3 =	sadd.s32 $0x88, s3;
	s6 =	simm.s32 @!p1 $0x1082;
	[sflag:s4] =	ssyncset.s32 $0xFFFFF086  }
0x25: {  	[simem:s6], [sflag:s4] =	dma.local [hbm:s3], $0xF7A  }
0x26: {  	[smem:$0x3F9F] =	sst s1;
	(tag) =	ssettag s2;
	_ =	strace s9  }
0x27: {  	s1 =	sld [smem:$0x3FAF]  }
0x28: {  	s2 =	sld [smem:$0x3FB0]  }
0x29: {  	s4 =	sld [smem:$0x3FB2]  }
0x2a: {  	p0 =	seq.s32 s5, $0x0;
	s5 =	sld [smem:$0x3FB3]  }
0x2b: {  	s6 =	sld [smem:$0x3FB4]  }
0x2c: {  	s7 =	sld [smem:$0x3FB5]  }
0x2d: {  	s3 =	simm.s32 $0x108;
	s8 =	sld [smem:$0x3FB6]  }
0x2e: {  	s3 =	simm.s32 @!p0 $0x1082;
	s9 =	sld [smem:$0x3FB7]  }
0x2f: {  	lr =	sadd.s32 s0, s3;
	s0 =	sld [smem:$0x3FAE]  }
0x30: {  	s3 =	sld [smem:$0x3FB1]  }
0x31: {  	[smem:$0x3FBA] =	sst s10  }
0x32: {  	s10 =	sld [smem:$0x3FB8];
	_ =	sdelay $0x3  }
0x33: {  	p0 =	seq.s32 s10, $0x1;
	s10 =	sld [smem:$0x3FBA];
	_ =	sdelay $0x3  }
0x34: {  	[smem:$0x3FBA] =	sst s10  }
0x35: {  	s10 =	sld [smem:$0x3FB9];
	_ =	sdelay $0x3  }
0x36: {  	p1 =	seq.s32 s10, $0x1;
	s10 =	sld [smem:$0x3FBA];
	_ =	sdelay $0x3  }
0x37: {  	[smem:$0x3FBA] =	sst s10  }
0x38: {  	s10 =	sld [smem:$0x3FBB]  }
0x39: {  	_ = 	snop;
	(pc) =	sbr.ind lr, $3  }
0x3a: {  	_ = 	snop  }
0x3b: {  	_ = 	snop  }
0x3c: {  	p2 =	seq.s32 s10, $0x1;
	s10 =	sld [smem:$0x3FBA]  }
0x3d: {  	_ =	shalt  }
0x3e: {  	_ =	shalt  }
0x3f: {  	_ =	shalt  }
0x40: {  	_ =	shalt  }
0x41: {  	_ =	shalt  }
0x42: {  	_ =	shalt  }
0x43: {  	_ =	shalt  }
0x44: {  	_ =	shalt  }
0x45: {  	_ =	shalt  }
0x46: {  	_ =	shalt  }
0x47: {  	_ =	shalt  }
0x48: {  	_ =	shalt  }
0x49: {  	_ =	shalt  }
0x4a: {  	_ =	shalt  }
0x4b: {  	_ =	shalt  }
0x4c: {  	_ =	shalt  }
0x4d: {  	_ =	shalt  }
0x4e: {  	_ =	shalt  }
0x4f: {  	_ =	shalt  }
0x50: {  	_ =	shalt  }
0x51: {  	_ =	shalt  }
0x52: {  	_ =	shalt  }
0x53: {  	_ =	shalt  }
0x54: {  	_ =	shalt  }
0x55: {  	_ =	shalt  }
0x56: {  	_ =	shalt  }
0x57: {  	_ =	shalt  }
0x58: {  	_ =	shalt  }
0x59: {  	_ =	shalt  }
0x5a: {  	_ =	shalt  }
0x5b: {  	_ =	shalt  }
0x5c: {  	_ =	shalt  }
0x5d: {  	_ =	shalt  }
0x5e: {  	_ =	shalt  }
0x5f: {  	_ =	shalt  }
0x60: {  	_ =	shalt  }
0x61: {  	_ =	shalt  }
0x62: {  	_ =	shalt  }
0x63: {  	_ =	shalt  }
0x64: {  	_ =	shalt  }
0x65: {  	_ =	shalt  }
0x66: {  	_ =	shalt  }
0x67: {  	_ =	shalt  }
0x68: {  	_ =	shalt  }
0x69: {  	_ =	shalt  }
0x6a: {  	_ =	shalt  }
0x6b: {  	_ =	shalt  }
0x6c: {  	_ =	shalt  }
0x6d: {  	_ =	shalt  }
0x6e: {  	_ =	shalt  }
0x6f: {  	_ =	shalt  }
0x70: {  	_ =	shalt  }
0x71: {  	_ =	shalt  }
0x72: {  	_ =	shalt  }
0x73: {  	_ =	shalt  }
0x74: {  	_ =	shalt  }
0x75: {  	_ =	shalt  }
0x76: {  	_ =	shalt  }
0x77: {  	_ =	shalt  }
0x78: {  	_ =	shalt  }
0x79: {  	_ =	shalt  }
0x7a: {  	_ =	shalt  }
0x7b: {  	_ =	shalt  }
0x7c: {  	_ =	shalt  }
0x7d: {  	_ =	shalt  }
0x7e: {  	_ =	shalt  }
0x7f: {  	_ =	shalt  }
0x80: {  	_ =	shalt  }
0x81: {  	_ =	shalt  }
0x82: {  	_ =	shalt  }
0x83: {  	_ =	shalt  }
0x84: {  	_ =	shalt  }
0x85: {  	_ =	shalt  }
0x86: {  	_ =	shalt  }
0x87: {  	_ =	shalt  }
.Lfunc_end0:
.L_simem_size_0:
called_computation_lowered:
.L_overlay_start_0:
0x88: {  	s2 =	sld [smem:$0x3FD9]  }
0x89: {  	s3 =	sld [smem:$0x3FFE];
	_ =	sdelay $0x1  }
0x8a: {  	s1 =	srdreg.scid  }
0x8b: {  	s0 =	sand.u32 $0x1, s1  }
0x8c: {  	s17 =	sshll.u32 s0, $0xA;
	s2 =	sadd.s32 s3, s2  }
0x8d: {  	s2 =	sadd.s32 s2, s17  }
0x8e: {  	[smem:$0x3FC6] =	sst s2  }
0x8f: {  	_ = 	snop  }
0x90: {  	s2 =	sld [smem:$0x3FD0];
	(tm) =	ssettm $0x1  }
0x91: {  	s18 =	sld [smem:$0x3FFB];
	_ =	sdelay $0x3  }
0x92: {  	_ =	strace s18  }
0x93: {  	s3 =	sld [smem:$0x3FFC];
	_ =	sdelay $0x3  }
0x94: {  	_ =	strace s3  }
0x95: {  	s3 =	sld [smem:$0x3FFD];
	_ =	sdelay $0x3  }
0x96: {  	_ =	strace s3  }
0x97: {  	_ =	strace $0x8FFFFFFF  }
0x98: {  	s19 =	sld [smem:$0x3FDB];
	_ =	sdelay $0x1  }
0x99: {  	s4 =	simm.s32 $_scs_section_size  }
0x9a: {  	s5 =	simm.s32 $_size__tile_overlayer_lowered;
	s6 =	simm.s32 $_tile_overlayer_lowered  }
0x9b: {  	s22 =	simm.s32 $0x1BFF;
	s21 =	sshll.u32 s6, $0x1;
	s3 =	sadd.s32 s4, s19  }
0x9c: {  	s7 =	simm.s32 $0x0;
	s20 =	sshll.u32 s5, $0x1;
	s5 =	sadd.s32 s21, s3  }
0x9d: {  	[timem:s7], [sflag:s22] =	dma.local [hbm:s5], s20  }
0x9e: {  	_ =	swait.ge [sflag:s22], s20  }
0x9f: {  	s4 =	ssub.s32 $0x0, s20;
	[sflag:s22] =	ssyncset.done $0x0  }
0xa0: {  	[sflag:s22] =	ssyncadd.s32 s4;
	_ =	sdelay $0x1  }
0xa1: {  	s23 =	simm.s32 $0x1B8B  }
0xa2: {  	_ =	swait.ge [sflag:s23], $0x1  }
0xa3: {  	[sflag:s23] =	ssyncset.done $0x0  }
0xa4: {  	s25 =	simm.s32 $0x1B8E;
	s24 =	sld [smem:$0x3FFE];
	[sflag:s23] =	ssyncadd.s32 $0xFFFFFFFF  }
0xa5: {  	s26 =	simm.s32 $execute0_lowered;
	[smem:$0x3FD2] =	sst s25  }
0xa6: {  	s5 =	sshll.u32 s26, $0x1;
	_ =	strace $0x80000046;
	[dreg:$0x1] =	wrdreg $0xFFFFFFFF  }
0xa7: {  	s28 =	simm.s32 $_size_execute0_lowered;
	s3 =	sadd.s32 s3, s5;
	[dreg:$0x0] =	wrdreg $0x0  }
0xa8: {  	s5 =	sshll.u32 s28, $0x1;
	[dreg:$0x2] =	wrdreg s3  }
0xa9: {  	[dreg:$0x3] =	wrdreg s5  }
0xaa: {  	[dreg:$0x4] =	wrdreg $0xC0  }
0xab: {  	_ =	task [dreg:s7], $0x5FFFF  }
0xac: {  	[dreg:$0x1] =	wrdreg $0xFFFFFFFF  }
0xad: {  	[dreg:$0x0] =	wrdreg $0x60  }
0xae: {  	[dreg:$0x2] =	wrdreg s2  }
0xaf: {  	[dreg:$0x3] =	wrdreg s24  }
0xb0: {  	[dreg:$0x4] =	wrdreg $0x9  }
0xb1: {  	_ =	task.clear_ibuf [dreg:s7], $0x5FFFF;
	_ =	strace $0x90000046  }
0xb2: {  	s29 =	simm.s32 $0x9;
	_ =	strace $0x80000048  }
0xb3: {  	_ =	swait.ge [sflag:s29], $0x1  }
0xb4: {  	[sflag:s29] =	ssyncadd.s32 $0xFFFFFFFF  }
0xb5: {  	_ =	strace $0x90000048  }
0xb6: {  	_ =	sfence  }
0xb7: {  	s30 =	sld [smem:$0x0];
	_ =	sdelay $0x2  }
0xb8: {  	s31 =	sshll.u32 s1, $0xD;
	s1 =	sshrl.u32 s1, $0x2  }
0xb9: {  	s3 =	sand.u32 $0x4000, s31;
	s1 =	sadd.s32 s1, s30  }
0xba: {  	s0 =	sor.u32 s3, s0;
	s1 =	sshll.u32 s1, $0x11  }
0xbb: {  	s0 =	sor.u32 s1, s0  }
0xbc: {  	s0 =	sadd.s32 $0x8F2B, s0  }
0xbd: {  	[sflag:s0] =	ssyncadd.remote.s32 $0x1  }
0xbe: {  	_ =	sfence.sel $0xFFFF  }
0xbf: {  	[dreg:$0x0] =	wrdreg $0xFFFFFFFF;
	(pc) =	sbr.abs _section_cstart, $3  }
0xc0: {  	[dreg:$0x1] =	wrdreg $0xFFFFFFFF  }
0xc1: {  	_ =	task.clear_ibuf [dreg:s7], $0x2FFFF;
	_ =	strace $0x9FFFFFFF  }
0xc2: {  	(tm) =	ssettm $0x7FFFFFFF  }
0xc3: {  	_ =	shalt  }
tec
execute0_lowered:
.L_overlay_start_1:
0x0: {  	(tag) =	ssettag $0x1  }
0x1: {  	s2 =	rddreg [dreg:$0x0]  }
0x2: {  	s4 =	srdreg.scid;
	s1 =	stileid.u32  }
0x3: {  	s12 =	rddreg [dreg:$0x1];
	s30 =	sand.u32 $0x1, s4;
	s26 =	sshll.u32 s1, $0x1  }
0x4: {  	s0 =	rddreg [dreg:$0x2];
	s3 =	simm.s32 $0x0;
	s6 =	sor.u32 s30, s26  }
0x5: {  	s5 =	simm.s32 $0x4;
	[smem:$0x7FF] =	sst s3;
	s4 =	sshll.u32 s6, $0x2  }
0x6: {  	s7 =	sshll.u32 s1, $0x11;
	_ =	strace $0x80000047;
	s4 =	sadd.s32 s12, s4  }
0x7: {  	[tilespmem:s3], [sflag:$0x4] =	stream.linear.gather [hbm4b:s4+s3], $0x20, $0x38;
	[tilespmem:$0x18080] =	vst v63  }
0x8: {  	s8 =	simm.s32 $0x8;
	s24 =	sand.u32 $0x1C0000, s7;
	_ =	swait.ge [sflag:s5], $0x20  }
0x9: {  	s7 =	simm.s32 $0x80;
	s6 =	sshll.u32 s6, $0xD;
	[sflag:s5] =	ssyncset.done $0x0  }
0xa: {  	s26 =	sand.u32 $0x6000, s6;
	s6 =	simm.s32 $0x10;
	[sflag:s5] =	ssyncadd.s32 $0xFFFFFFE0  }
0xb: {  	[tilespmem:s7], [sflag:$0x1] =	stream.indirect.gather [hbm4b:s2+s6], $0x1000, s3, s6, $0xb8;
	[tilespmem:$0x18080] =	vst v63  }
0xc: {  	s9 =	simm.s32 $0x18;
	s10 =	simm.s32 $0x10080;
	s11 =	simm.s32 $0x1  }
0xd: {  	[tilespmem:s10], [sflag:$0x2] =	stream.indirect.gather [hbm4b:s2+s8], $0x1000, s9, s8, $0xb8;
	[tilespmem:$0x18080] =	vst v63  }
0xe: {  	s25 =	sadd.s32 $0x200, s12;
	s31 =	sor.u32 s24, s26;
	_ =	swait.ge [sflag:s11], $0x10000  }
0xf: {  	s28 =	sadd.s32 s31, s25;
	[sflag:s11] =	ssyncset.done $0x0  }
0x10: {  	s13 =	simm.s32 $0x2;
	s12 =	sadd.s32 $0x38000, s28;
	[sflag:s11] =	ssyncadd.s32 $0xFFFF0000  }
0x11: {  	[hbm4b:s12+s3] =	stream.linear.scatter [tilespmem:s7], [sflag:$0x3], $0x10000, $0x38;
	[tilespmem:$0x18080] =	vst v63  }
0x12: {  	_ =	swait.ge [sflag:s13], $0x8000  }
0x13: {  	[sflag:s13] =	ssyncset.done $0x0  }
0x14: {  	s15 =	simm.s32 $0x1080;
	s14 =	sadd.s32 $0x30000, s28;
	[sflag:s13] =	ssyncadd.s32 $0xFFFF8000  }
0x15: {  	[hbm4b:s14+s3] =	stream.linear.scatter [tilespmem:s15], [sflag:$0x3], $0x10000, $0x38;
	[tilespmem:$0x18080] =	vst v63  }
0x16: {  	s17 =	simm.s32 $0x2080;
	s16 =	sadd.s32 $0x28000, s28  }
0x17: {  	[hbm4b:s16+s3] =	stream.linear.scatter [tilespmem:s17], [sflag:$0x3], $0x10000, $0x38;
	[tilespmem:$0x18080] =	vst v63  }
0x18: {  	s19 =	simm.s32 $0x3080;
	s18 =	sadd.s32 $0x20000, s28  }
0x19: {  	[hbm4b:s18+s3] =	stream.linear.scatter [tilespmem:s19], [sflag:$0x3], $0x10000, $0x38;
	[tilespmem:$0x18080] =	vst v63  }
0x1a: {  	s21 =	simm.s32 $0x4080;
	s20 =	sadd.s32 $0x18000, s28  }
0x1b: {  	[hbm4b:s20+s3] =	stream.linear.scatter [tilespmem:s21], [sflag:$0x3], $0x10000, $0x38;
	[tilespmem:$0x18080] =	vst v63  }
0x1c: {  	s23 =	simm.s32 $0x5080;
	s22 =	sadd.s32 $0x10000, s28  }
0x1d: {  	[hbm4b:s22+s3] =	stream.linear.scatter [tilespmem:s23], [sflag:$0x3], $0x10000, $0x38;
	[tilespmem:$0x18080] =	vst v63  }
0x1e: {  	s29 =	sadd.s32 s25, s24;
	s25 =	simm.s32 $0x6080;
	s24 =	sadd.s32 $0x8000, s28  }
0x1f: {  	[hbm4b:s24+s3] =	stream.linear.scatter [tilespmem:s25], [sflag:$0x3], $0x10000, $0x38;
	[tilespmem:$0x18080] =	vst v63  }
0x20: {  	s26 =	sadd.s32 s26, s29;
	s29 =	simm.s32 $0x3;
	s28 =	simm.s32 $0x7080  }
0x21: {  	[hbm4b:s26+s3] =	stream.linear.scatter [tilespmem:s28], [sflag:$0x3], $0x10000, $0x38;
	[tilespmem:$0x18080] =	vst v63  }
0x22: {  	_ =	swait.ge [sflag:s29], $0x10000  }
0x23: {  	[sflag:s29] =	ssyncset.done $0x0  }
0x24: {  	[sflag:s29] =	ssyncadd.s32 $0xFFFF0000  }
0x25: {  	_ =	swait.ge [sflag:s29], $0x10000  }
0x26: {  	[sflag:s29] =	ssyncset.done $0x0  }
0x27: {  	[sflag:s29] =	ssyncadd.s32 $0xFFFF0000  }
0x28: {  	_ =	swait.ge [sflag:s29], $0x10000  }
0x29: {  	[sflag:s29] =	ssyncset.done $0x0  }
0x2a: {  	[sflag:s29] =	ssyncadd.s32 $0xFFFF0000  }
0x2b: {  	_ =	swait.ge [sflag:s29], $0x10000  }
0x2c: {  	[sflag:s29] =	ssyncset.done $0x0  }
0x2d: {  	[sflag:s29] =	ssyncadd.s32 $0xFFFF0000  }
0x2e: {  	_ =	swait.ge [sflag:s29], $0x10000  }
0x2f: {  	s30 =	ssub.s32 $0x2, s30;
	[sflag:s29] =	ssyncset.done $0x0  }
0x30: {  	s31 =	sshrl.u32 s30, $0x1;
	[sflag:s29] =	ssyncadd.s32 $0xFFFF0000  }
0x31: {  	s30 =	ssub.s32 s30, s31;
	_ =	swait.ge [sflag:s29], $0x10000  }
0x32: {  	s30 =	smax.u32 s30, $0x1;
	[sflag:s29] =	ssyncset.done $0x0  }
0x33: {  	p0 =	sne.s32 s30, $0x1;
	[sflag:s29] =	ssyncadd.s32 $0xFFFF0000  }
.Ltmp0:
0x34: {  	_ =	swait.ge [sflag:s29], $0x10000;
	(pc) =	sbr.rel @!p0 .LBB2_2-.Ltmp0, $4  }
0x35: {  	[sflag:s29] =	ssyncset.done $0x0  }
0x36: {  	[sflag:s29] =	ssyncadd.s32 $0xFFFF0000  }
0x37: {  	_ =	swait.ge [sflag:s29], $0x10000  }
0x38: {  	s30 =	sadd.s32 $0xFFFFFFFF, s30;
	[sflag:s29] =	ssyncset.done $0x0  }
.LBB2_1:
0x39: {  	p0 =	sne.s32 s30, $0x1;
	s30 =	sadd.s32 $0xFFFFFFFF, s30;
	[sflag:s29] =	ssyncadd.s32 $0xFFFF0000  }
0x3a: {  	[tilespmem:s3], [sflag:$0x4] =	stream.linear.gather [hbm4b:s4+s3], $0x20, $0x38;
	[tilespmem:$0x18080] =	vst v63  }
0x3b: {  	_ =	swait.ge [sflag:s5], $0x20  }
0x3c: {  	[sflag:s5] =	ssyncset.done $0x0  }
0x3d: {  	[sflag:s5] =	ssyncadd.s32 $0xFFFFFFE0  }
0x3e: {  	[tilespmem:s7], [sflag:$0x1] =	stream.indirect.gather [hbm4b:s2+s6], $0x1000, s3, s6, $0xb8;
	[tilespmem:$0x18080] =	vst v63  }
0x3f: {  	_ = 	snop  }
0x40: {  	[tilespmem:s10], [sflag:$0x2] =	stream.indirect.gather [hbm4b:s2+s8], $0x1000, s9, s8, $0xb8;
	[tilespmem:$0x18080] =	vst v63  }
0x41: {  	_ =	swait.ge [sflag:s11], $0x10000  }
0x42: {  	[sflag:s11] =	ssyncset.done $0x0  }
0x43: {  	[sflag:s11] =	ssyncadd.s32 $0xFFFF0000  }
0x44: {  	[hbm4b:s12+s3] =	stream.linear.scatter [tilespmem:s7], [sflag:$0x3], $0x10000, $0x38;
	[tilespmem:$0x18080] =	vst v63  }
0x45: {  	_ =	swait.ge [sflag:s13], $0x8000  }
0x46: {  	[sflag:s13] =	ssyncset.done $0x0  }
0x47: {  	[sflag:s13] =	ssyncadd.s32 $0xFFFF8000  }
0x48: {  	[hbm4b:s14+s3] =	stream.linear.scatter [tilespmem:s15], [sflag:$0x3], $0x10000, $0x38;
	[tilespmem:$0x18080] =	vst v63  }
0x49: {  	_ = 	snop  }
0x4a: {  	[hbm4b:s16+s3] =	stream.linear.scatter [tilespmem:s17], [sflag:$0x3], $0x10000, $0x38;
	[tilespmem:$0x18080] =	vst v63  }
0x4b: {  	_ = 	snop  }
0x4c: {  	[hbm4b:s18+s3] =	stream.linear.scatter [tilespmem:s19], [sflag:$0x3], $0x10000, $0x38;
	[tilespmem:$0x18080] =	vst v63  }
0x4d: {  	_ = 	snop  }
0x4e: {  	[hbm4b:s20+s3] =	stream.linear.scatter [tilespmem:s21], [sflag:$0x3], $0x10000, $0x38;
	[tilespmem:$0x18080] =	vst v63  }
0x4f: {  	_ = 	snop  }
0x50: {  	[hbm4b:s22+s3] =	stream.linear.scatter [tilespmem:s23], [sflag:$0x3], $0x10000, $0x38;
	[tilespmem:$0x18080] =	vst v63  }
0x51: {  	_ = 	snop  }
0x52: {  	[hbm4b:s24+s3] =	stream.linear.scatter [tilespmem:s25], [sflag:$0x3], $0x10000, $0x38;
	[tilespmem:$0x18080] =	vst v63  }
0x53: {  	_ = 	snop  }
0x54: {  	[hbm4b:s26+s3] =	stream.linear.scatter [tilespmem:s28], [sflag:$0x3], $0x10000, $0x38;
	[tilespmem:$0x18080] =	vst v63  }
0x55: {  	_ =	swait.ge [sflag:s29], $0x10000  }
0x56: {  	[sflag:s29] =	ssyncset.done $0x0  }
0x57: {  	[sflag:s29] =	ssyncadd.s32 $0xFFFF0000  }
0x58: {  	_ =	swait.ge [sflag:s29], $0x10000  }
0x59: {  	[sflag:s29] =	ssyncset.done $0x0  }
0x5a: {  	[sflag:s29] =	ssyncadd.s32 $0xFFFF0000  }
0x5b: {  	_ =	swait.ge [sflag:s29], $0x10000  }
0x5c: {  	[sflag:s29] =	ssyncset.done $0x0  }
0x5d: {  	[sflag:s29] =	ssyncadd.s32 $0xFFFF0000  }
0x5e: {  	_ =	swait.ge [sflag:s29], $0x10000  }
0x5f: {  	[sflag:s29] =	ssyncset.done $0x0  }
0x60: {  	[sflag:s29] =	ssyncadd.s32 $0xFFFF0000  }
0x61: {  	_ =	swait.ge [sflag:s29], $0x10000  }
0x62: {  	[sflag:s29] =	ssyncset.done $0x0  }
0x63: {  	[sflag:s29] =	ssyncadd.s32 $0xFFFF0000  }
0x64: {  	_ =	swait.ge [sflag:s29], $0x10000  }
0x65: {  	[sflag:s29] =	ssyncset.done $0x0  }
0x66: {  	[sflag:s29] =	ssyncadd.s32 $0xFFFF0000  }
.Ltmp1:
0x67: {  	_ =	swait.ge [sflag:s29], $0x10000;
	(pc) =	sbr.rel @p0 .LBB2_1-.Ltmp1, $4  }
0x68: {  	[sflag:s29] =	ssyncset.done $0x0  }
0x69: {  	[sflag:s29] =	ssyncadd.s32 $0xFFFF0000  }
0x6a: {  	_ =	swait.ge [sflag:s29], $0x10000  }
0x6b: {  	[sflag:s29] =	ssyncset.done $0x0  }
.LBB2_2:
0x6c: {  	[sflag:s29] =	ssyncadd.s32 $0xFFFF0000  }
0x6d: {  	_ =	sfence.sel $0x180000  }
0x6e: {  	[bflag:$0x0] =	sbarrier.arrive $0xFFFF  }
0x6f: {  	p0 =	sne.s32 s1, $0x0;
	_ =	strace $0x90000047  }
0x70: {  	s0 =	sadd.s32 @!p0 $0x100000, s0;
	[bflag:$0x2] =	sbarrier.arrive $0xFFFF  }
0x71: {  	[sflag:s0] =	ssyncadd.tile.s32 @!p0 $0x1;
	_ =	shalt  }
.Lfunc_end2:
_tile_overlayer_lowered:
.L_overlay_start_2:
0x72: {  	(tag) =	ssettag $0x2  }
0x73: {  	s0 =	rddreg [dreg:$0x0];
	s2 =	stileid.u32  }
0x74: {  	s1 =	rddreg [dreg:$0x1];
	p0 =	sne.s32 s2, $0x0  }
0x75: {  	s3 =	rddreg [dreg:$0x2];
	[bflag:$0x3] =	sbarrier.arrive $0xFFFF;
	s2 =	simm.s32 @!p0 $0x1C04  }
0x76: {  	[timem:s3], [sflag:s2] =	dma.local @!p0 [hbm:s0], s1  }
0x77: {  	s0 =	simm.s32 @!p0 $0x4  }
0x78: {  	_ =	swait.ge @!p0 [sflag:s0], s1  }
0x79: {  	s1 =	ssub.s32 @!p0 $0x0, s1;
	[sflag:s0] =	ssyncset.done @!p0 $0x0  }
0x7a: {  	[sflag:s0] =	ssyncadd.s32 @!p0 s1  }
0x7b: {  	[bflag:$0x3] =	sbarrier.arrive $0xFFFF  }
0x7c: {  	_ =	shalt  }

</sc_bundles>
